<compile_context>
chip_gen: v7x
topology: tpu7x:2x2x1
jax: 0.10.2.dev20260603
libtpu: 0.0.44.dev20260713+nightly
codegen_flags: <defaults>
</compile_context>

<pallas_src>
import functools
import math

import jax
import jax.numpy as jnp
import numpy as np
from jax import lax
from jax.experimental import pallas as pl
from jax.experimental.pallas import tpu as pltpu
from jax.experimental.pallas import tpu_sc as plsc

_B = 128
_D_IN = 2048
_F = 4096
_QUANTILE = 0.7

_NC, _NS, _LANES = 2, 16, 16
_NW = _NC * _NS
_SLICE = _F // _NW

_INT_MAX = np.int32(2147483647)
_INT_MIN = np.int32(-2147483648)
_HI_INIT = np.int32(0x7F800000)


def _sc_indicator_body(sel_hbm, out_hbm, sel_v, slice_v):
    wid = lax.axis_index("s") * _NC + lax.axis_index("c")
    base = wid * _SLICE
    k_total = sel_hbm.shape[0]
    pltpu.sync_copy(sel_hbm, sel_v)

    zeros16 = jnp.zeros((_LANES,), jnp.int32)

    def _zero(i, carry):
        slice_v[pl.ds(i * _LANES, _LANES)] = zeros16
        return carry

    lax.fori_loop(0, _SLICE // _LANES, _zero, 0)

    ones16 = jnp.ones((_LANES,), jnp.int32)

    def _scatter(j, carry):
        idx = sel_v[pl.ds(j * _LANES, _LANES)]
        loc = idx - base
        m = (loc >= 0) & (loc < _SLICE)
        locc = jnp.clip(loc, 0, _SLICE - 1)
        plsc.store_scatter(slice_v, [locc], ones16, mask=m)
        return carry

    lax.fori_loop(0, k_total // _LANES, _scatter, 0)
    pltpu.sync_copy(slice_v, out_hbm.at[pl.ds(base, _SLICE)])


def _build_indicator(sel_idx):
    kern = pl.kernel(
        _sc_indicator_body,
        out_type=jax.ShapeDtypeStruct((_F,), jnp.int32),
        mesh=plsc.VectorSubcoreMesh(
            core_axis_name="c", subcore_axis_name="s",
            num_cores=_NC, num_subcores=_NS),
        scratch_types=[
            pltpu.VMEM((sel_idx.shape[0],), jnp.int32),
            pltpu.VMEM((_SLICE,), jnp.int32),
        ],
        compiler_params=pltpu.CompilerParams(needs_layout_passes=False),
    )
    return kern(sel_idx)


def _mm1_body(x_ref, w_ref, b_ref, o_ref):
    o_ref[...] = (
        jnp.dot(x_ref[...], w_ref[...], preferred_element_type=jnp.float32)
        + b_ref[...]
    )


def _mm2_body(y_ref, w_ref, b_ref, sel_ref, o_ref):
    z = (
        jnp.dot(y_ref[...], w_ref[...], preferred_element_type=jnp.float32)
        + b_ref[...]
    )
    bits = lax.bitcast_convert_type(z, jnp.int32)
    key = bits ^ ((bits >> 31) & np.int32(0x7FFFFFFF))
    o_ref[...] = jnp.where(sel_ref[...] != 0, key, _INT_MAX)


def _select_body(kk, keys_ref, y_ref, gt_ref, o_ref):
    keys = keys_ref[...]

    def _it(_, lohi):
        lo, hi = lohi
        mid = (lo & hi) + ((lo ^ hi) >> 1)
        cnt = jnp.sum((keys <= mid).astype(jnp.int32), axis=1, keepdims=True)
        ge = cnt >= kk
        return jnp.where(ge, lo, mid + 1), jnp.where(ge, mid, hi)

    lo0 = jnp.full((_B, 1), _INT_MIN, jnp.int32)
    hi0 = jnp.full((_B, 1), _HI_INIT, jnp.int32)
    _, thr = lax.fori_loop(0, 32, _it, (lo0, hi0))
    o_ref[...] = jnp.where(keys <= thr, gt_ref[...], y_ref[...])


def kernel(x, W_orig, b_orig, W_policy, b_policy, ground_truth, sel_idx):
    K = sel_idx.shape[0]
    kk = int(max(1, min(K, 1 + math.floor(_QUANTILE * (K - 1)))))

    is_sel = _build_indicator(sel_idx).reshape(1, _F)
    b_o = b_orig.reshape(1, _F)
    b_p = b_policy.reshape(1, _F)

    nf1 = 4
    f1 = _F // nf1
    y = pl.pallas_call(
        _mm1_body,
        grid=(nf1,),
        in_specs=[
            pl.BlockSpec((_B, _D_IN), lambda j: (0, 0)),
            pl.BlockSpec((_D_IN, f1), lambda j: (0, j)),
            pl.BlockSpec((1, f1), lambda j: (0, j)),
        ],
        out_specs=pl.BlockSpec((_B, f1), lambda j: (0, j)),
        out_shape=jax.ShapeDtypeStruct((_B, _F), jnp.float32),
    )(x, W_orig, b_o)

    nf2 = 8
    f2 = _F // nf2
    keys = pl.pallas_call(
        _mm2_body,
        grid=(nf2,),
        in_specs=[
            pl.BlockSpec((_B, _F), lambda j: (0, 0)),
            pl.BlockSpec((_F, f2), lambda j: (0, j)),
            pl.BlockSpec((1, f2), lambda j: (0, j)),
            pl.BlockSpec((1, f2), lambda j: (0, j)),
        ],
        out_specs=pl.BlockSpec((_B, f2), lambda j: (0, j)),
        out_shape=jax.ShapeDtypeStruct((_B, _F), jnp.int32),
    )(y, W_policy, b_p, is_sel)

    out = pl.pallas_call(
        functools.partial(_select_body, kk),
        out_shape=jax.ShapeDtypeStruct((_B, _F), jnp.float32),
    )(keys, y, ground_truth)
    return out

# --- scband reference (transcript-rebuilt; emitter-appended) ---
"""Pipeline reference for scband-intervention-wrapper-26568667693653 (READ-ONLY COPY).

The authoritative reference and input builder live on the scoring server;
editing this copy changes nothing except your own understanding.
"""

import jax, jax.numpy as jnp
import numpy as np
import math

B = 128
D_IN = 2048
F = 4096
K = 2048
QUANTILE = 0.7


def setup_inputs(seed: int = 0) -> dict:
    key = jax.random.key(seed)
    ks = jax.random.split(key, 6)
    x = jax.random.normal(ks[0], (B, D_IN), dtype=jnp.float32)
    W_orig = jax.random.normal(ks[1], (D_IN, F), dtype=jnp.float32) * (1.0 / np.sqrt(D_IN))
    b_orig = jnp.zeros((F,), dtype=jnp.float32)
    W_policy = jax.random.normal(ks[2], (F, F), dtype=jnp.float32) * (1.0 / np.sqrt(F))
    b_policy = jnp.zeros((F,), dtype=jnp.float32)
    ground_truth = jax.random.normal(ks[3], (B, F), dtype=jnp.float32)
    rng = np.random.default_rng(0)
    sel_idx = jnp.asarray(np.sort(rng.choice(F, size=K, replace=False)), dtype=jnp.int32)
    return {
        "x": x,
        "W_orig": W_orig,
        "b_orig": b_orig,
        "W_policy": W_policy,
        "b_policy": b_policy,
        "ground_truth": ground_truth,
        "sel_idx": sel_idx,
    }


def reference(x, W_orig, b_orig, W_policy, b_policy, ground_truth, sel_idx):
    # original module: linear projection to concept logits
    y = x @ W_orig + b_orig
    # policy module: linear + softplus (non-negative scores, as assumed by log1p soft proxy)
    logits = jax.nn.softplus(y @ W_policy + b_policy)
    Bsz, Fdim = logits.shape
    Kn = sel_idx.shape[0]
    # gather selected concept columns
    sel = jnp.take(logits, sel_idx, axis=1)
    # kth value threshold (torch.kthvalue == k-th smallest)
    k = int(max(1, min(Kn, 1 + math.floor(QUANTILE * (Kn - 1)))))
    srt = jnp.sort(sel, axis=1)
    thr = srt[:, k - 1 : k]
    sel_mask_hard = (sel > thr).astype(logits.dtype)
    # scatter hard mask into full-width ones
    mask = jnp.ones((Bsz, Fdim), dtype=logits.dtype).at[:, sel_idx].set(sel_mask_hard)
    # straight-through soft proxy
    row_max = jnp.max(sel, axis=1, keepdims=True) + 1e-12
    soft_sel = jnp.log1p(sel) / jnp.log1p(row_max)
    soft_proxy = jnp.ones_like(logits).at[:, sel_idx].set(soft_sel)
    m = jax.lax.stop_gradient(mask - soft_proxy) + soft_proxy
    # GroundTruthIntervention rewiring: keep y where mask==1, ground truth elsewhere
    return y * m + ground_truth * (1.0 - m)

if __name__ == "__main__":
    import jax
    _d = setup_inputs()
    print(jax.jit(kernel)(*tuple(_d.values())))

</pallas_src>

<mosaic_0001>
#map = affine_map<(d0, d1) -> (0)>
module attributes {stable_mosaic.version = 14 : i64} {
  func.func @_sc_indicator_body(%arg0: i32, %arg1: i32, %arg2: memref<2048xi32, #tpu.memory_space<hbm>>, %arg3: memref<4096xi32, #tpu.memory_space<hbm>>, %arg4: memref<2048xi32, #tpu.memory_space<vmem>>, %arg5: memref<128xi32, #tpu.memory_space<vmem>>) attributes {dimension_semantics = [#tpu.dimension_semantics<core_parallel>, #tpu.dimension_semantics<subcore_parallel>], iteration_bounds = array<i64: 2, 16>, scalar_prefetch = 0 : i64, scratch_operands = 2 : i64, tpu.core_type = #tpu.core_type<sc_vector_subcore>, window_params = [{transform_indices = #map}, {transform_indices = #map}]} {
    %mul3A = arith.constant 2 : i32
    %mul3A_0 = arith.muli %arg1, %mul3A : i32
    %add3A = arith.addi %mul3A_0, %arg0 : i32
    %mul3A_1 = arith.constant 128 : i32
    %mul3A_2 = arith.muli %add3A, %mul3A_1 : i32
    "tpu.region"() ({
      %run_scoped3A = tpu.sem_alloc : memref<!tpu.dma_semaphore, #tpu.memory_space<semaphore_mem>>
      tpu.enqueue_dma source(%arg2 : memref<2048xi32, #tpu.memory_space<hbm>>) target(%arg4 : memref<2048xi32, #tpu.memory_space<vmem>>) target_semaphore(%run_scoped3A : memref<!tpu.dma_semaphore, #tpu.memory_space<semaphore_mem>>)
      tpu.wait_dma2 semaphore(%run_scoped3A : memref<!tpu.dma_semaphore, #tpu.memory_space<semaphore_mem>>) src(%arg2 : memref<2048xi32, #tpu.memory_space<hbm>>) dst(%arg4 : memref<2048xi32, #tpu.memory_space<vmem>>)
      tpu.yield
    }) : () -> ()
    %broadcast_in_dim3A = arith.constant 0 : i32
    %broadcast_in_dim3A_3 = vector.broadcast %broadcast_in_dim3A : i32 to vector<16xi32>
    %scan3A = arith.constant 0 : i32
    %scan3A_4 = arith.constant 0 : i32
    %scan3A_5 = arith.constant 8 : i32
    %scan3A_6 = arith.addi %scan3A_4, %scan3A_5 : i32
    %scan3A_7 = arith.constant 1 : i32
    scf.for %scan3A_17 = %scan3A_4 to %scan3A_6 step %scan3A_7  : i32 {
      %mul3A_18 = arith.constant 16 : i32
      %mul3A_19 = arith.muli %scan3A_17, %mul3A_18 : i32
      %swap3A = arith.index_cast %mul3A_19 : i32 to index
      %swap3A_20 = tpu.vector_load %arg5[%swap3A] {strides = array<i32>} : memref<128xi32, #tpu.memory_space<vmem>>, vector<16xi32>,
      tpu.vector_store %arg5[%swap3A], %broadcast_in_dim3A_3 {strides = array<i32>} : memref<128xi32, #tpu.memory_space<vmem>>, vector<16xi32>,
    }
    %scan3A_8 = arith.constant 8 : i32
    %broadcast_in_dim3A_9 = arith.constant 1 : i32
    %broadcast_in_dim3A_10 = vector.broadcast %broadcast_in_dim3A_9 : i32 to vector<16xi32>
    %scan3A_11 = arith.constant 0 : i32
    %scan3A_12 = arith.constant 0 : i32
    %scan3A_13 = arith.constant 128 : i32
    %scan3A_14 = arith.addi %scan3A_12, %scan3A_13 : i32
    %scan3A_15 = arith.constant 1 : i32
    scf.for %scan3A_17 = %scan3A_12 to %scan3A_14 step %scan3A_15  : i32 {
      %mul3A_18 = arith.constant 16 : i32
      %mul3A_19 = arith.muli %scan3A_17, %mul3A_18 : i32
      %get3A = arith.index_cast %mul3A_19 : i32 to index
      %get3A_20 = tpu.vector_load %arg4[%get3A] {strides = array<i32>} : memref<2048xi32, #tpu.memory_space<vmem>>, vector<16xi32>,
      %sub3A = vector.broadcast %mul3A_2 : i32 to vector<16xi32>
      %sub3A_21 = arith.subi %get3A_20, %sub3A : vector<16xi32>
      %ge3A = arith.constant 0 : i32
      %ge3A_22 = vector.broadcast %ge3A : i32 to vector<16xi32>
      %ge3A_23 = arith.cmpi sge, %sub3A_21, %ge3A_22 : vector<16xi32>
      %lt3A = arith.constant 128 : i32
      %lt3A_24 = vector.broadcast %lt3A : i32 to vector<16xi32>
      %lt3A_25 = arith.cmpi slt, %sub3A_21, %lt3A_24 : vector<16xi32>
      %and3A = arith.andi %ge3A_23, %lt3A_25 : vector<16xi1>
      %jit3A = arith.constant 0 : i32
      %jit3A_26 = arith.constant 127 : i32
      %max3A = vector.broadcast %jit3A : i32 to vector<16xi32>
      %max3A_27 = arith.maxsi %max3A, %sub3A_21 : vector<16xi32>
      %min3A = vector.broadcast %jit3A_26 : i32 to vector<16xi32>
      %min3A_28 = arith.minsi %min3A, %max3A_27 : vector<16xi32>
      tpu.vector_store_idx %arg5[%min3A_28], %broadcast_in_dim3A_10 masked %and3A : memref<128xi32, #tpu.memory_space<vmem>>[vector<16xi32>], vector<16xi32>, vector<16xi1>
    }
    %scan3A_16 = arith.constant 128 : i32
    "tpu.region"() ({
      %run_scoped3A = tpu.sem_alloc : memref<!tpu.dma_semaphore, #tpu.memory_space<semaphore_mem>>
      %dma_start3A = tpu.memref_slice %arg3[%mul3A_2] : memref<4096xi32, #tpu.memory_space<hbm>> -> memref<128xi32, #tpu.memory_space<hbm>>
      %dma_start3A_17 = tpu.memref_slice %arg3[%mul3A_2] : memref<4096xi32, #tpu.memory_space<hbm>> -> memref<128xi32, #tpu.memory_space<hbm>>
      tpu.enqueue_dma source(%arg5 : memref<128xi32, #tpu.memory_space<vmem>>) target(%dma_start3A_17 : memref<128xi32, #tpu.memory_space<hbm>>) target_semaphore(%run_scoped3A : memref<!tpu.dma_semaphore, #tpu.memory_space<semaphore_mem>>)
      %dma_wait3A = tpu.memref_slice %arg3[%mul3A_2] : memref<4096xi32, #tpu.memory_space<hbm>> -> memref<128xi32, #tpu.memory_space<hbm>>
      %dma_wait3A_18 = tpu.memref_slice %arg3[%mul3A_2] : memref<4096xi32, #tpu.memory_space<hbm>> -> memref<128xi32, #tpu.memory_space<hbm>>
      tpu.wait_dma2 semaphore(%run_scoped3A : memref<!tpu.dma_semaphore, #tpu.memory_space<semaphore_mem>>) src(%arg5 : memref<128xi32, #tpu.memory_space<vmem>>) dst(%dma_wait3A_18 : memref<128xi32, #tpu.memory_space<hbm>>)
      tpu.yield
    }) : () -> ()
    return
  }
}

module attributes {stable_mosaic.version = 14 : i64} {
  func.func @_mm1_body(%arg0: i32, %arg1: memref<128x2048xf32, #tpu.memory_space<vmem>>, %arg2: memref<2048x1024xf32, #tpu.memory_space<vmem>>, %arg3: memref<1x1024xf32, #tpu.memory_space<vmem>>, %arg4: memref<128x1024xf32, #tpu.memory_space<vmem>>) attributes {dimension_semantics = [#tpu.dimension_semantics<arbitrary>], iteration_bounds = array<i64: 4>, scalar_prefetch = 0 : i64, scratch_operands = 0 : i64, tpu.core_type = #tpu.core_type<tc>, window_params = [{pipeline_mode = #tpu.pipeline_mode<synchronous>, transform_indices = @transform_0, window_bounds = array<i64: 128, 2048>}, {transform_indices = @transform_1, window_bounds = array<i64: 2048, 1024>}, {transform_indices = @transform_2, window_bounds = array<i64: 1, 1024>}, {transform_indices = @transform_3, window_bounds = array<i64: 128, 1024>}]} {
    %get3A = arith.constant 0 : index
    %get3A_0 = arith.constant 0 : index
    %get3A_1 = vector.load %arg1[%get3A, %get3A_0] : memref<128x2048xf32, #tpu.memory_space<vmem>>, vector<128x2048xf32>
    %get3A_2 = arith.constant 0 : index
    %get3A_3 = arith.constant 0 : index
    %get3A_4 = vector.load %arg2[%get3A_2, %get3A_3] : memref<2048x1024xf32, #tpu.memory_space<vmem>>, vector<2048x1024xf32>
    %dot_general3A = arith.constant dense<0.000000e+00> : vector<128x1024xf32>
    %dot_general3A_5 = tpu.matmul %get3A_1, %get3A_4, %dot_general3A {dimension_numbers = #tpu.dot_dimension_numbers<[1], [0], [0], [1], [0, 0, 1, 1], [], []>, transpose_lhs_hint = false} : vector<128x2048xf32>, vector<2048x1024xf32>, vector<128x1024xf32> -> vector<128x1024xf32>
    %get3A_6 = arith.constant 0 : index
    %get3A_7 = arith.constant 0 : index
    %get3A_8 = vector.load %arg3[%get3A_6, %get3A_7] : memref<1x1024xf32, #tpu.memory_space<vmem>>, vector<1x1024xf32>
    %add3A = vector.broadcast %get3A_8 : vector<1x1024xf32> to vector<128x1024xf32>
    %add3A_9 = arith.addf %dot_general3A_5, %add3A : vector<128x1024xf32>
    %swap3A = arith.constant 0 : index
    %swap3A_10 = arith.constant 0 : index
    %swap3A_11 = vector.load %arg4[%swap3A, %swap3A_10] : memref<128x1024xf32, #tpu.memory_space<vmem>>, vector<128x1024xf32>
    tpu.vector_store %arg4[%swap3A, %swap3A_10], %add3A_9 {strides = array<i32>} : memref<128x1024xf32, #tpu.memory_space<vmem>>, vector<128x1024xf32>,
    return
  }
  func.func @transform_0(%arg0: i32) -> (i32, i32) {
    %c0_i32 = arith.constant 0 : i32
    %c0_i32_0 = arith.constant 0 : i32
    %c0_i32_1 = arith.constant 0 : i32
    return %c0_i32, %c0_i32_0 : i32, i32
  }
  func.func @transform_1(%arg0: i32) -> (i32, i32) {
    %c0_i32 = arith.constant 0 : i32
    %c0_i32_0 = arith.constant 0 : i32
    return %c0_i32, %arg0 : i32, i32
  }
  func.func @transform_2(%arg0: i32) -> (i32, i32) {
    %c0_i32 = arith.constant 0 : i32
    %c0_i32_0 = arith.constant 0 : i32
    return %c0_i32, %arg0 : i32, i32
  }
  func.func @transform_3(%arg0: i32) -> (i32, i32) {
    %c0_i32 = arith.constant 0 : i32
    %c0_i32_0 = arith.constant 0 : i32
    return %c0_i32, %arg0 : i32, i32
  }
}

module attributes {stable_mosaic.version = 14 : i64} {
  func.func @_mm2_body(%arg0: i32, %arg1: memref<128x4096xf32, #tpu.memory_space<vmem>>, %arg2: memref<4096x512xf32, #tpu.memory_space<vmem>>, %arg3: memref<1x512xf32, #tpu.memory_space<vmem>>, %arg4: memref<1x512xi32, #tpu.memory_space<vmem>>, %arg5: memref<128x512xi32, #tpu.memory_space<vmem>>) attributes {dimension_semantics = [#tpu.dimension_semantics<arbitrary>], iteration_bounds = array<i64: 8>, scalar_prefetch = 0 : i64, scratch_operands = 0 : i64, tpu.core_type = #tpu.core_type<tc>, window_params = [{pipeline_mode = #tpu.pipeline_mode<synchronous>, transform_indices = @transform_0, window_bounds = array<i64: 128, 4096>}, {transform_indices = @transform_1, window_bounds = array<i64: 4096, 512>}, {transform_indices = @transform_2, window_bounds = array<i64: 1, 512>}, {transform_indices = @transform_3, window_bounds = array<i64: 1, 512>}, {transform_indices = @transform_4, window_bounds = array<i64: 128, 512>}]} {
    %get3A = arith.constant 0 : index
    %get3A_0 = arith.constant 0 : index
    %get3A_1 = vector.load %arg1[%get3A, %get3A_0] : memref<128x4096xf32, #tpu.memory_space<vmem>>, vector<128x4096xf32>
    %get3A_2 = arith.constant 0 : index
    %get3A_3 = arith.constant 0 : index
    %get3A_4 = vector.load %arg2[%get3A_2, %get3A_3] : memref<4096x512xf32, #tpu.memory_space<vmem>>, vector<4096x512xf32>
    %dot_general3A = arith.constant dense<0.000000e+00> : vector<128x512xf32>
    %dot_general3A_5 = tpu.matmul %get3A_1, %get3A_4, %dot_general3A {dimension_numbers = #tpu.dot_dimension_numbers<[1], [0], [0], [1], [0, 0, 1, 1], [], []>, transpose_lhs_hint = false} : vector<128x4096xf32>, vector<4096x512xf32>, vector<128x512xf32> -> vector<128x512xf32>
    %get3A_6 = arith.constant 0 : index
    %get3A_7 = arith.constant 0 : index
    %get3A_8 = vector.load %arg3[%get3A_6, %get3A_7] : memref<1x512xf32, #tpu.memory_space<vmem>>, vector<1x512xf32>
    %add3A = vector.broadcast %get3A_8 : vector<1x512xf32> to vector<128x512xf32>
    %add3A_9 = arith.addf %dot_general3A_5, %add3A : vector<128x512xf32>
    %bitcast_convert_type3A = tpu.bitcast %add3A_9 : vector<128x512xf32> -> vector<128x512xi32>
    %shift_right_arithmetic3A = arith.constant 31 : i32
    %shift_right_arithmetic3A_10 = vector.broadcast %shift_right_arithmetic3A : i32 to vector<128x512xi32>
    %shift_right_arithmetic3A_11 = arith.shrsi %bitcast_convert_type3A, %shift_right_arithmetic3A_10 : vector<128x512xi32>
    %and3A = arith.constant 2147483647 : i32
    %and3A_12 = vector.broadcast %and3A : i32 to vector<128x512xi32>
    %and3A_13 = arith.andi %shift_right_arithmetic3A_11, %and3A_12 : vector<128x512xi32>
    %xor3A = arith.xori %bitcast_convert_type3A, %and3A_13 : vector<128x512xi32>
    %get3A_14 = arith.constant 0 : index
    %get3A_15 = arith.constant 0 : index
    %get3A_16 = vector.load %arg4[%get3A_14, %get3A_15] : memref<1x512xi32, #tpu.memory_space<vmem>>, vector<1x512xi32>
    %ne3A = arith.constant 0 : i32
    %ne3A_17 = vector.broadcast %ne3A : i32 to vector<1x512xi32>
    %ne3A_18 = arith.cmpi ne, %get3A_16, %ne3A_17 : vector<1x512xi32>
    %jit3A = arith.constant 2147483647 : i32
    %broadcast_in_dim3A = vector.shape_cast %ne3A_18 : vector<1x512xi1> to vector<1x512xi1>
    %broadcast_in_dim3A_19 = vector.broadcast %broadcast_in_dim3A : vector<1x512xi1> to vector<128x512xi1>
    %broadcast_in_dim3A_20 = vector.broadcast %jit3A : i32 to vector<128x512xi32>
    %select_n3A = arith.select %broadcast_in_dim3A_19, %xor3A, %broadcast_in_dim3A_20 : vector<128x512xi1>, vector<128x512xi32>
    %swap3A = arith.constant 0 : index
    %swap3A_21 = arith.constant 0 : index
    %swap3A_22 = vector.load %arg5[%swap3A, %swap3A_21] : memref<128x512xi32, #tpu.memory_space<vmem>>, vector<128x512xi32>
    tpu.vector_store %arg5[%swap3A, %swap3A_21], %select_n3A {strides = array<i32>} : memref<128x512xi32, #tpu.memory_space<vmem>>, vector<128x512xi32>,
    return
  }
  func.func @transform_0(%arg0: i32) -> (i32, i32) {
    %c0_i32 = arith.constant 0 : i32
    %c0_i32_0 = arith.constant 0 : i32
    %c0_i32_1 = arith.constant 0 : i32
    return %c0_i32, %c0_i32_0 : i32, i32
  }
  func.func @transform_1(%arg0: i32) -> (i32, i32) {
    %c0_i32 = arith.constant 0 : i32
    %c0_i32_0 = arith.constant 0 : i32
    return %c0_i32, %arg0 : i32, i32
  }
  func.func @transform_2(%arg0: i32) -> (i32, i32) {
    %c0_i32 = arith.constant 0 : i32
    %c0_i32_0 = arith.constant 0 : i32
    return %c0_i32, %arg0 : i32, i32
  }
  func.func @transform_3(%arg0: i32) -> (i32, i32) {
    %c0_i32 = arith.constant 0 : i32
    %c0_i32_0 = arith.constant 0 : i32
    return %c0_i32, %arg0 : i32, i32
  }
  func.func @transform_4(%arg0: i32) -> (i32, i32) {
    %c0_i32 = arith.constant 0 : i32
    %c0_i32_0 = arith.constant 0 : i32
    return %c0_i32, %arg0 : i32, i32
  }
}

module attributes {stable_mosaic.version = 14 : i64} {
  func.func @_select_body(%arg0: memref<128x4096xi32, #tpu.memory_space<vmem>>, %arg1: memref<128x4096xf32, #tpu.memory_space<vmem>>, %arg2: memref<128x4096xf32, #tpu.memory_space<vmem>>, %arg3: memref<128x4096xf32, #tpu.memory_space<vmem>>) attributes {dimension_semantics = [], scalar_prefetch = 0 : i64, scratch_operands = 0 : i64, tpu.core_type = #tpu.core_type<tc>} {
    %get3A = arith.constant 0 : index
    %get3A_0 = arith.constant 0 : index
    %get3A_1 = vector.load %arg0[%get3A, %get3A_0] : memref<128x4096xi32, #tpu.memory_space<vmem>>, vector<128x4096xi32>
    %broadcast_in_dim3A = arith.constant -2147483648 : i32
    %broadcast_in_dim3A_2 = vector.broadcast %broadcast_in_dim3A : i32 to vector<128x1xi32>
    %broadcast_in_dim3A_3 = arith.constant 2139095040 : i32
    %broadcast_in_dim3A_4 = vector.broadcast %broadcast_in_dim3A_3 : i32 to vector<128x1xi32>
    %scan3A = arith.constant 0 : i32
    %scan3A_5 = arith.constant 32 : i32
    %scan3A_6 = arith.addi %scan3A, %scan3A_5 : i32
    %scan3A_7 = arith.constant 1 : i32
    %scan3A_8:2 = scf.for %scan3A_18 = %scan3A to %scan3A_6 step %scan3A_7 iter_args(%scan3A_19 = %broadcast_in_dim3A_2, %scan3A_20 = %broadcast_in_dim3A_4) -> (vector<128x1xi32>, vector<128x1xi32>)  : i32 {
      %and3A = arith.andi %scan3A_19, %scan3A_20 : vector<128x1xi32>
      %xor3A = arith.xori %scan3A_19, %scan3A_20 : vector<128x1xi32>
      %shift_right_arithmetic3A = arith.constant 1 : i32
      %shift_right_arithmetic3A_21 = vector.broadcast %shift_right_arithmetic3A : i32 to vector<128x1xi32>
      %shift_right_arithmetic3A_22 = arith.shrsi %xor3A, %shift_right_arithmetic3A_21 : vector<128x1xi32>
      %add3A = arith.addi %and3A, %shift_right_arithmetic3A_22 : vector<128x1xi32>
      %le3A_23 = vector.broadcast %add3A : vector<128x1xi32> to vector<128x4096xi32>
      %le3A_24 = arith.cmpi sle, %get3A_1, %le3A_23 : vector<128x4096xi32>
      %convert_element_type3A = arith.extui %le3A_24 : vector<128x4096xi1> to vector<128x4096xi32>
      %reduce_sum3A = arith.constant dense<0> : vector<128xi32>
      %reduce_sum3A_25 = vector.multi_reduction <add>, %convert_element_type3A, %reduce_sum3A [1] : vector<128x4096xi32> to vector<128xi32>
      %broadcast_in_dim3A_26 = vector.shape_cast %reduce_sum3A_25 : vector<128xi32> to vector<128x1xi32>
      %ge3A = arith.constant 1433 : i32
      %ge3A_27 = vector.broadcast %ge3A : i32 to vector<128x1xi32>
      %ge3A_28 = arith.cmpi sge, %broadcast_in_dim3A_26, %ge3A_27 : vector<128x1xi32>
      %add3A_29 = arith.constant 1 : i32
      %add3A_30 = vector.broadcast %add3A_29 : i32 to vector<128x1xi32>
      %add3A_31 = arith.addi %add3A, %add3A_30 : vector<128x1xi32>
      %select_n3A_32 = arith.select %ge3A_28, %scan3A_19, %add3A_31 : vector<128x1xi1>, vector<128x1xi32>
      %select_n3A_33 = arith.select %ge3A_28, %add3A, %scan3A_20 : vector<128x1xi1>, vector<128x1xi32>
      scf.yield %select_n3A_32, %select_n3A_33 : vector<128x1xi32>, vector<128x1xi32>
    }
    %le3A = vector.broadcast %scan3A_8#1 : vector<128x1xi32> to vector<128x4096xi32>
    %le3A_9 = arith.cmpi sle, %get3A_1, %le3A : vector<128x4096xi32>
    %get3A_10 = arith.constant 0 : index
    %get3A_11 = arith.constant 0 : index
    %get3A_12 = vector.load %arg2[%get3A_10, %get3A_11] : memref<128x4096xf32, #tpu.memory_space<vmem>>, vector<128x4096xf32>
    %get3A_13 = arith.constant 0 : index
    %get3A_14 = arith.constant 0 : index
    %get3A_15 = vector.load %arg1[%get3A_13, %get3A_14] : memref<128x4096xf32, #tpu.memory_space<vmem>>, vector<128x4096xf32>
    %select_n3A = arith.select %le3A_9, %get3A_12, %get3A_15 : vector<128x4096xi1>, vector<128x4096xf32>
    %swap3A = arith.constant 0 : index
    %swap3A_16 = arith.constant 0 : index
    %swap3A_17 = vector.load %arg3[%swap3A, %swap3A_16] : memref<128x4096xf32, #tpu.memory_space<vmem>>, vector<128x4096xf32>
    tpu.vector_store %arg3[%swap3A, %swap3A_16], %select_n3A {strides = array<i32>} : memref<128x4096xf32, #tpu.memory_space<vmem>>, vector<128x4096xf32>,
    return
  }
}

</mosaic_0001>

<sc_bundles>
// kernel: kernel.6.cloned.1.call-start
scs
__scs_entry_jumppad:
0x0: {  	(pc) =	sbr.rel $0x88, $3  }
0x1: {  	(tag) =	ssettag $0x0;
	lr =	simm.s32 $0x1  }
0x2: {  	[smem:$0x3F9A] =	sst lr;
	_ =	strace $0xD0000000  }
0x3: {  	_ = 	snop  }
0x4: {  	_ = 	snop  }
0x5: {  	_ = 	snop  }
0x6: {  	_ = 	snop  }
0x7: {  	_ = 	snop  }
__scs_overlays_trampoline_lowered:
0x8: {  	[smem:$0x3FA9] =	sst s0  }
0x9: {  	[smem:$0x3FAA] =	sst s1  }
0xa: {  	[smem:$0x3FAB] =	sst s2  }
0xb: {  	[smem:$0x3FAC] =	sst s3  }
0xc: {  	[smem:$0x3FAD] =	sst s4  }
0xd: {  	[smem:$0x3FAE] =	sst s5  }
0xe: {  	[smem:$0x3FAF] =	sst s6  }
0xf: {  	[smem:$0x3FB0] =	sst s7  }
0x10: {  	[smem:$0x3FB1] =	sst s8  }
0x11: {  	[smem:$0x3FB2] =	sst s9;
	s0 =	simm.s32 @!p0 $0x0  }
0x12: {  	s1 =	sld [smem:$0x3F98];
	s0 =	simm.s32 @p0 $0x1  }
0x13: {  	[smem:$0x3FB3] =	sst s0;
	s0 =	simm.s32 @!p1 $0x0  }
0x14: {  	s2 =	sld [smem:$0x3F97];
	s0 =	simm.s32 @p1 $0x1  }
0x15: {  	[smem:$0x3FB4] =	sst s0;
	s0 =	simm.s32 @!p2 $0x0  }
0x16: {  	s3 =	sld [smem:$0x3FDB];
	s0 =	simm.s32 @p2 $0x1  }
0x17: {  	s4 =	simm.s32 $0x1BF5;
	[smem:$0x3FB6] =	sst s0  }
0x18: {  	s0 =	sld [smem:$0x3F99];
	_ =	swait.ge [sflag:s4], $0x0  }
0x19: {  	s7 =	sld [smem:$0x3F9A]  }
0x1a: {  	s8 =	sadd.s32 $0xFFFFE003, lr  }
0x1b: {  	s9 =	sadd.s32 $0xFFFFFEF7, lr;
	s5 =	simm.s32 $0xFFFFFFFF;
	p2 =	slt.u32 s8, $0xFFFFF086  }
0x1c: {  	p1 =	slt.u32 s9, $0xF7A;
	s5 =	simm.s32 @!p2 $0x0  }
0x1d: {  	s5 =	simm.s32 @p1 $0x1;
	p0 =	seq.s32 s7, s2  }
0x1e: {  	s7 =	smul.u32 @!p0 $0xF7A, s2;
	p2 =	seq.s32 @!p0 s5, $0x0  }
0x1f: {  	s9 =	smul.u32 $0xF7A, s1;
	s8 =	simm.s32 @!p0 $0x1BF5;
	p2 =	por !p2, p0  }
0x20: {  	[sflag:s8] =	ssyncset.s32 @!p0 $0xFFFFF086;
	s6 =	sadd.s32 @!p0 s3, s7;
	s7 =	simm.s32 @!p0 $0x108  }
0x21: {  	s3 =	sadd.s32 s3, s9;
	s6 =	sadd.s32 @!p0 $0x88, s6;
	s7 =	simm.s32 @p2 $0x1082  }
0x22: {  	[simem:s7], [sflag:s8] =	dma.local @!p0 [hbm:s6], $0xF7A  }
0x23: {  	s9 =	sor.u32 $0xD0000000, s2;
	s6 =	simm.s32 $0x108;
	_ =	swait.ge @!p0 [sflag:s8], $0x0  }
0x24: {  	s3 =	sadd.s32 $0x88, s3;
	s6 =	simm.s32 @!p1 $0x1082;
	[sflag:s4] =	ssyncset.s32 $0xFFFFF086  }
0x25: {  	[simem:s6], [sflag:s4] =	dma.local [hbm:s3], $0xF7A  }
0x26: {  	[smem:$0x3F9A] =	sst s1;
	(tag) =	ssettag s2;
	_ =	strace s9  }
0x27: {  	s1 =	sld [smem:$0x3FAA]  }
0x28: {  	s2 =	sld [smem:$0x3FAB]  }
0x29: {  	s4 =	sld [smem:$0x3FAD]  }
0x2a: {  	p0 =	seq.s32 s5, $0x0;
	s5 =	sld [smem:$0x3FAE]  }
0x2b: {  	s6 =	sld [smem:$0x3FAF]  }
0x2c: {  	s7 =	sld [smem:$0x3FB0]  }
0x2d: {  	s3 =	simm.s32 $0x108;
	s8 =	sld [smem:$0x3FB1]  }
0x2e: {  	s3 =	simm.s32 @!p0 $0x1082;
	s9 =	sld [smem:$0x3FB2]  }
0x2f: {  	lr =	sadd.s32 s0, s3;
	s0 =	sld [smem:$0x3FA9]  }
0x30: {  	s3 =	sld [smem:$0x3FAC]  }
0x31: {  	[smem:$0x3FB5] =	sst s10  }
0x32: {  	s10 =	sld [smem:$0x3FB3];
	_ =	sdelay $0x3  }
0x33: {  	p0 =	seq.s32 s10, $0x1;
	s10 =	sld [smem:$0x3FB5];
	_ =	sdelay $0x3  }
0x34: {  	[smem:$0x3FB5] =	sst s10  }
0x35: {  	s10 =	sld [smem:$0x3FB4];
	_ =	sdelay $0x3  }
0x36: {  	p1 =	seq.s32 s10, $0x1;
	s10 =	sld [smem:$0x3FB5];
	_ =	sdelay $0x3  }
0x37: {  	[smem:$0x3FB5] =	sst s10  }
0x38: {  	s10 =	sld [smem:$0x3FB6]  }
0x39: {  	_ = 	snop;
	(pc) =	sbr.ind lr, $3  }
0x3a: {  	_ = 	snop  }
0x3b: {  	_ = 	snop  }
0x3c: {  	p2 =	seq.s32 s10, $0x1;
	s10 =	sld [smem:$0x3FB5]  }
0x3d: {  	_ =	shalt  }
0x3e: {  	_ =	shalt  }
0x3f: {  	_ =	shalt  }
0x40: {  	_ =	shalt  }
0x41: {  	_ =	shalt  }
0x42: {  	_ =	shalt  }
0x43: {  	_ =	shalt  }
0x44: {  	_ =	shalt  }
0x45: {  	_ =	shalt  }
0x46: {  	_ =	shalt  }
0x47: {  	_ =	shalt  }
0x48: {  	_ =	shalt  }
0x49: {  	_ =	shalt  }
0x4a: {  	_ =	shalt  }
0x4b: {  	_ =	shalt  }
0x4c: {  	_ =	shalt  }
0x4d: {  	_ =	shalt  }
0x4e: {  	_ =	shalt  }
0x4f: {  	_ =	shalt  }
0x50: {  	_ =	shalt  }
0x51: {  	_ =	shalt  }
0x52: {  	_ =	shalt  }
0x53: {  	_ =	shalt  }
0x54: {  	_ =	shalt  }
0x55: {  	_ =	shalt  }
0x56: {  	_ =	shalt  }
0x57: {  	_ =	shalt  }
0x58: {  	_ =	shalt  }
0x59: {  	_ =	shalt  }
0x5a: {  	_ =	shalt  }
0x5b: {  	_ =	shalt  }
0x5c: {  	_ =	shalt  }
0x5d: {  	_ =	shalt  }
0x5e: {  	_ =	shalt  }
0x5f: {  	_ =	shalt  }
0x60: {  	_ =	shalt  }
0x61: {  	_ =	shalt  }
0x62: {  	_ =	shalt  }
0x63: {  	_ =	shalt  }
0x64: {  	_ =	shalt  }
0x65: {  	_ =	shalt  }
0x66: {  	_ =	shalt  }
0x67: {  	_ =	shalt  }
0x68: {  	_ =	shalt  }
0x69: {  	_ =	shalt  }
0x6a: {  	_ =	shalt  }
0x6b: {  	_ =	shalt  }
0x6c: {  	_ =	shalt  }
0x6d: {  	_ =	shalt  }
0x6e: {  	_ =	shalt  }
0x6f: {  	_ =	shalt  }
0x70: {  	_ =	shalt  }
0x71: {  	_ =	shalt  }
0x72: {  	_ =	shalt  }
0x73: {  	_ =	shalt  }
0x74: {  	_ =	shalt  }
0x75: {  	_ =	shalt  }
0x76: {  	_ =	shalt  }
0x77: {  	_ =	shalt  }
0x78: {  	_ =	shalt  }
0x79: {  	_ =	shalt  }
0x7a: {  	_ =	shalt  }
0x7b: {  	_ =	shalt  }
0x7c: {  	_ =	shalt  }
0x7d: {  	_ =	shalt  }
0x7e: {  	_ =	shalt  }
0x7f: {  	_ =	shalt  }
0x80: {  	_ =	shalt  }
0x81: {  	_ =	shalt  }
0x82: {  	_ =	shalt  }
0x83: {  	_ =	shalt  }
0x84: {  	_ =	shalt  }
0x85: {  	_ =	shalt  }
0x86: {  	_ =	shalt  }
0x87: {  	_ =	shalt  }
.Lfunc_end0:
.L_simem_size_0:
called_computation_lowered:
.L_overlay_start_0:
0x88: {  	s2 =	sld [smem:$0x3FD9]  }
0x89: {  	s3 =	sld [smem:$0x3FFE];
	_ =	sdelay $0x1  }
0x8a: {  	s1 =	srdreg.scid  }
0x8b: {  	s0 =	sand.u32 $0x1, s1  }
0x8c: {  	s18 =	sshll.u32 s0, $0xA;
	s2 =	sadd.s32 s3, s2  }
0x8d: {  	s2 =	sadd.s32 s2, s18  }
0x8e: {  	[smem:$0x3FC1] =	sst s2  }
0x8f: {  	_ = 	snop  }
0x90: {  	s2 =	sld [smem:$0x3FC3]  }
0x91: {  	s19 =	sld [smem:$0x3FD0];
	(tm) =	ssettm $0x1  }
0x92: {  	s4 =	sld [smem:$0x3FFB];
	_ =	sdelay $0x3  }
0x93: {  	_ =	strace s4  }
0x94: {  	s4 =	sld [smem:$0x3FFC];
	_ =	sdelay $0x3  }
0x95: {  	_ =	strace s4  }
0x96: {  	s4 =	sld [smem:$0x3FFD];
	_ =	sdelay $0x3  }
0x97: {  	_ =	strace s4  }
0x98: {  	_ =	strace $0x8FFFFFFF  }
0x99: {  	s20 =	sld [smem:$0x3FDB];
	_ =	sdelay $0x1  }
0x9a: {  	s5 =	simm.s32 $_scs_section_size  }
0x9b: {  	s6 =	simm.s32 $_size__tile_overlayer_lowered;
	s7 =	simm.s32 $_tile_overlayer_lowered  }
0x9c: {  	s23 =	simm.s32 $0x1BFF;
	s22 =	sshll.u32 s7, $0x1;
	s4 =	sadd.s32 s5, s20  }
0x9d: {  	s8 =	simm.s32 $0x0;
	s21 =	sshll.u32 s6, $0x1;
	s6 =	sadd.s32 s22, s4  }
0x9e: {  	[timem:s8], [sflag:s23] =	dma.local [hbm:s6], s21  }
0x9f: {  	_ =	swait.ge [sflag:s23], s21  }
0xa0: {  	s5 =	ssub.s32 $0x0, s21;
	[sflag:s23] =	ssyncset.done $0x0  }
0xa1: {  	[sflag:s23] =	ssyncadd.s32 s5;
	_ =	sdelay $0x1  }
0xa2: {  	s24 =	simm.s32 $0x1B8B  }
0xa3: {  	_ =	swait.ge [sflag:s24], $0x1  }
0xa4: {  	[sflag:s24] =	ssyncset.done $0x0  }
0xa5: {  	s25 =	simm.s32 $0x1B8E;
	[sflag:s24] =	ssyncadd.s32 $0xFFFFFFFF  }
0xa6: {  	s26 =	simm.s32 $execute0_lowered;
	[smem:$0x3FD2] =	sst s25  }
0xa7: {  	s5 =	sshll.u32 s26, $0x1;
	_ =	strace $0x80000046;
	[dreg:$0x1] =	wrdreg $0xFFFFFFFF  }
0xa8: {  	s28 =	simm.s32 $_size_execute0_lowered;
	s4 =	sadd.s32 s4, s5;
	[dreg:$0x0] =	wrdreg $0x0  }
0xa9: {  	s5 =	sshll.u32 s28, $0x1;
	[dreg:$0x2] =	wrdreg s4  }
0xaa: {  	[dreg:$0x3] =	wrdreg s5  }
0xab: {  	[dreg:$0x4] =	wrdreg $0xC0  }
0xac: {  	_ =	task [dreg:s8], $0x5FFFF  }
0xad: {  	[dreg:$0x1] =	wrdreg $0xFFFFFFFF  }
0xae: {  	[dreg:$0x0] =	wrdreg $0x60  }
0xaf: {  	[dreg:$0x2] =	wrdreg s2  }
0xb0: {  	[dreg:$0x3] =	wrdreg s19  }
0xb1: {  	[dreg:$0x4] =	wrdreg $0x9  }
0xb2: {  	_ =	task.clear_ibuf [dreg:s8], $0x5FFFF;
	_ =	strace $0x90000046  }
0xb3: {  	s29 =	simm.s32 $0x9;
	_ =	strace $0x80000048  }
0xb4: {  	_ =	swait.ge [sflag:s29], $0x1  }
0xb5: {  	[sflag:s29] =	ssyncadd.s32 $0xFFFFFFFF  }
0xb6: {  	_ =	strace $0x90000048  }
0xb7: {  	_ =	sfence  }
0xb8: {  	s30 =	sld [smem:$0x0];
	_ =	sdelay $0x2  }
0xb9: {  	s31 =	sshll.u32 s1, $0xD;
	s1 =	sshrl.u32 s1, $0x2  }
0xba: {  	s3 =	sand.u32 $0x4000, s31;
	s1 =	sadd.s32 s1, s30  }
0xbb: {  	s0 =	sor.u32 s3, s0;
	s1 =	sshll.u32 s1, $0x11  }
0xbc: {  	s0 =	sor.u32 s1, s0  }
0xbd: {  	s0 =	sadd.s32 $0x8F2B, s0  }
0xbe: {  	[sflag:s0] =	ssyncadd.remote.s32 $0x1  }
0xbf: {  	_ =	sfence.sel $0xFFFF  }
0xc0: {  	[dreg:$0x0] =	wrdreg $0xFFFFFFFF;
	(pc) =	sbr.abs _section_cstart, $3  }
0xc1: {  	[dreg:$0x1] =	wrdreg $0xFFFFFFFF  }
0xc2: {  	_ =	task.clear_ibuf [dreg:s8], $0x2FFFF;
	_ =	strace $0x9FFFFFFF  }
0xc3: {  	(tm) =	ssettm $0x7FFFFFFF  }
tec
execute0_lowered:
.L_overlay_start_1:
0x0: {  	(tag) =	ssettag $0x1  }
0x1: {  	s2 =	rddreg [dreg:$0x0]  }
0x2: {  	s4 =	rddreg [dreg:$0x1];
	s3 =	srdreg.scid  }
0x3: {  	s0 =	rddreg [dreg:$0x2];
	s1 =	stileid.u32;
	s3 =	sand.u32 $0x1, s3  }
0x4: {  	s6 =	sshll.u32 s1, $0x8;
	s5 =	ssub.s32 $0x2, s3;
	s7 =	sshll.u32 s3, $0x7  }
0x5: {  	s3 =	simm.s32 $0x0;
	s8 =	sshrl.u32 s5, $0x1;
	s6 =	sor.u32 s7, s6  }
0x6: {  	[smem:$0x7FF] =	sst s3;
	s5 =	ssub.s32 s5, s8;
	s7 =	sshrl.u32 s6, $0x3  }
0x7: {  	_ =	strace $0x80000047;
	v0 =	vmov s6;
	s6 =	simm.s32 $0x1;
	s8 =	simm.s32 $0x0  }
0x8: {  	v1 =	vimm.s32 $0x0;
	v2 =	vimm.s32 $0x1;
	s4 =	sadd.s32 s4, s7;
	s5 =	smax.u32 s5, $0x1;
	s7 =	simm.s32 $0x800  }
.LBB2_1:
0x9: {  	[tilespmem:s3], [sflag:$0x1] =	stream.linear.gather [hbm4b:s2+s3], $0x800, $0x38;
	[tilespmem:$0x880] =	vst v63  }
0xa: {  	_ =	swait.ge [sflag:s6], $0x800  }
0xb: {  	[sflag:s6] =	ssyncset.done $0x0  }
0xc: {  	[sflag:s6] =	ssyncadd.s32 $0xFFFFF800  }
0xd: {  	[tilespmem:$0x800] =	vst v1  }
0xe: {  	[tilespmem:$0x810] =	vst v1  }
0xf: {  	[tilespmem:$0x820] =	vst v1  }
0x10: {  	[tilespmem:$0x830] =	vst v1  }
0x11: {  	[tilespmem:$0x840] =	vst v1  }
0x12: {  	[tilespmem:$0x850] =	vst v1  }
0x13: {  	[tilespmem:$0x860] =	vst v1  }
0x14: {  	s10 =	simm.s32 $0x0;
	s9 =	simm.s32 $0x40;
	[tilespmem:$0x870] =	vst v1  }
.LBB2_2:
0x15: {  	p0 =	sne.s32 s9, $0x1FC0;
	v3 =	vld [tilespmem:s10+$0x0];
	_ =	sdelay $0x4  }
0x16: {  	v3 =	vsub.s32 v3, v0  }
0x17: {  	vm0 =	vgt.s32 v3, $0x0  }
0x18: {  	vm1 =	vlt.u32 v3, $0x80;
	v3 =	vnsel vm0, $0x0, v3  }
0x19: {  	v3 =	vmin.u32 v3, $0x7F  }
.Ltmp0:
0x1a: {  	(pc) =	sbr.rel @p0 .LBB2_2-.Ltmp0, $2  }
0x1b: {  	_ =	sdelay $0x2  }
0x1c: {  	s10 =	sshra.s32 s9, $0x2;
	s9 =	sadd.s32 $0x40, s9;
	[tilespmem:v3+s7+$0x0] =	vst.idx.msk vm1, v2  }
0x1d: {  	v3 =	vld [tilespmem:s10+$0x0];
	_ =	sdelay $0x4  }
0x1e: {  	v3 =	vsub.s32 v3, v0  }
0x1f: {  	vm0 =	vgt.s32 v3, $0x0  }
0x20: {  	vm1 =	vlt.u32 v3, $0x80;
	v3 =	vnsel vm0, $0x0, v3  }
0x21: {  	v3 =	vmin.u32 v3, $0x7F;
	_ =	sdelay $0x2  }
0x22: {  	s8 =	sadd.s32 $0x1, s8  }
0x23: {  	p0 =	sne.s32 s8, s5  }
.Ltmp1:
0x24: {  	[tilespmem:v3+s7+$0x0] =	vst.idx.msk vm1, v2;
	(pc) =	sbr.rel @p0 .LBB2_1-.Ltmp1, $4  }
0x25: {  	[hbm4b:s4+s3] =	stream.linear.scatter [tilespmem:s7], [sflag:$0x1], $0x80, $0x38;
	[tilespmem:$0x880] =	vst v63  }
0x26: {  	_ =	swait.ge [sflag:s6], $0x80  }
0x27: {  	[sflag:s6] =	ssyncset.done $0x0  }
0x28: {  	[sflag:s6] =	ssyncadd.s32 $0xFFFFFF80  }
0x29: {  	_ =	sfence.sel $0x180000  }
0x2a: {  	[bflag:$0x0] =	sbarrier.arrive $0xFFFF  }
0x2b: {  	p0 =	sne.s32 s1, $0x0;
	_ =	strace $0x90000047  }
0x2c: {  	s0 =	sadd.s32 @!p0 $0x100000, s0;
	[bflag:$0x2] =	sbarrier.arrive $0xFFFF  }
0x2d: {  	[sflag:s0] =	ssyncadd.tile.s32 @!p0 $0x1;
	_ =	shalt  }
.Lfunc_end2:
_tile_overlayer_lowered:
.L_overlay_start_2:
0x2e: {  	(tag) =	ssettag $0x2  }
0x2f: {  	s0 =	rddreg [dreg:$0x0];
	s2 =	stileid.u32  }
0x30: {  	s1 =	rddreg [dreg:$0x1];
	p0 =	sne.s32 s2, $0x0  }
0x31: {  	s3 =	rddreg [dreg:$0x2];
	[bflag:$0x3] =	sbarrier.arrive $0xFFFF;
	s2 =	simm.s32 @!p0 $0x1C01  }
0x32: {  	[timem:s3], [sflag:s2] =	dma.local @!p0 [hbm:s0], s1  }
0x33: {  	s0 =	simm.s32 @!p0 $0x1  }
0x34: {  	_ =	swait.ge @!p0 [sflag:s0], s1  }
0x35: {  	s1 =	ssub.s32 @!p0 $0x0, s1;
	[sflag:s0] =	ssyncset.done @!p0 $0x0  }
0x36: {  	[sflag:s0] =	ssyncadd.s32 @!p0 s1  }
0x37: {  	[bflag:$0x3] =	sbarrier.arrive $0xFFFF  }
0x38: {  	_ =	shalt  }

</sc_bundles>
